<compile_context>
chip_gen: v7x
topology: tpu7x:2x2x1
jax: 0.10.2.dev20260603
libtpu: 0.0.44.dev20260713+nightly
codegen_flags: <defaults>
</compile_context>

<pallas_src>
import functools

import jax
import jax.numpy as jnp
from jax import lax
from jax.experimental import pallas as pl
from jax.experimental.pallas import tpu as pltpu
from jax.experimental.pallas import tpu_sc as plsc

VOCAB = 1000000
EMBED_DIM = 64
BATCH = 4096
HIST = 200

NC = 2
NS = 16
NW = NC * NS

B = BATCH * HIST
B_PER_W = B // NW
C = 800
G = 800
K = C // G
N_CHUNKS = B_PER_W // C

_mesh = plsc.VectorSubcoreMesh(
    core_axis_name="c", subcore_axis_name="s", num_cores=NC, num_subcores=NS
)


@functools.partial(
    pl.kernel,
    out_type=jax.ShapeDtypeStruct((B, 2 * EMBED_DIM), jnp.float32),
    mesh=_mesh,
    scratch_types=[
        pltpu.VMEM((2, K, G), jnp.int32),
        pltpu.VMEM((2, C, EMBED_DIM), jnp.float32),
        pltpu.SemaphoreType.DMA,
        pltpu.SemaphoreType.DMA,
        pltpu.SemaphoreType.DMA,
        pltpu.SemaphoreType.DMA,
        pltpu.SemaphoreType.DMA,
        pltpu.SemaphoreType.DMA,
    ],
    compiler_params=pltpu.CompilerParams(use_tc_tiling_on_sc=False),
)
def _gather_kernel(
    table_hbm, word_hbm, out_hbm, idx_v, rows_v,
    sem_i0, sem_i1, sem_g0, sem_g1, sem_o0, sem_o1,
):
    wid = lax.axis_index("s") * NC + lax.axis_index("c")
    row0 = wid * (B_PER_W // G)

    def idx_load(i, slot, sem):
        pltpu.async_copy(
            word_hbm.at[pl.ds(row0 + i * K, K), :], idx_v.at[slot], sem
        )

    def idx_wait(i, slot, sem):
        pltpu.make_async_copy(
            word_hbm.at[pl.ds(row0 + i * K, K), :], idx_v.at[slot], sem
        ).wait()

    def gathers(slot, sem):
        for j in range(K):
            pltpu.async_copy(
                table_hbm.at[idx_v.at[slot, j]],
                rows_v.at[slot, pl.ds(j * G, G), :],
                sem,
            )

    def gathers_wait(slot, sem):
        for j in range(K):
            pltpu.make_async_copy(
                table_hbm.at[idx_v.at[slot, j]],
                rows_v.at[slot, pl.ds(j * G, G), :],
                sem,
            ).wait()

    def out_store(i, slot, sem):
        base = wid * B_PER_W + i * C
        pltpu.async_copy(
            rows_v.at[slot], out_hbm.at[pl.ds(base, C), pl.ds(0, EMBED_DIM)], sem
        )

    def out_wait(i, slot, sem):
        base = wid * B_PER_W + i * C
        pltpu.make_async_copy(
            rows_v.at[slot], out_hbm.at[pl.ds(base, C), pl.ds(0, EMBED_DIM)], sem
        ).wait()

    sems_i = (sem_i0, sem_i1)
    sems_g = (sem_g0, sem_g1)
    sems_o = (sem_o0, sem_o1)

    idx_load(0, 0, sems_i[0])
    idx_load(1, 1, sems_i[1])
    idx_wait(0, 0, sems_i[0])
    gathers(0, sems_g[0])

    def slot_body(s, i):
        gathers_wait(s, sems_g[s])
        out_store(i, s, sems_o[s])

        @pl.when(i + 2 < N_CHUNKS)
        def _():
            idx_load(i + 2, s, sems_i[s])

        @pl.when(i + 1 < N_CHUNKS)
        def _():
            o = 1 - s
            idx_wait(i + 1, o, sems_i[o])

            @pl.when(i >= 1)
            def _():
                out_wait(i - 1, o, sems_o[o])

            gathers(o, sems_g[o])

    def body(ii, carry):
        i = ii * 2
        slot_body(0, i)
        slot_body(1, i + 1)
        return carry

    lax.fori_loop(0, N_CHUNKS // 2, body, 0)
    out_wait(N_CHUNKS - 2, 0, sems_o[0])
    out_wait(N_CHUNKS - 1, 1, sems_o[1])


def kernel(word, table):
    word_flat = word.reshape(-1).astype(jnp.int32).reshape(B // G, G)
    out = _gather_kernel(table, word_flat)
    return out.reshape(BATCH, HIST, 2 * EMBED_DIM)[..., :EMBED_DIM]

# --- scband reference (transcript-rebuilt; emitter-appended) ---
"""Pipeline reference for scband-word-embed-1425929142796 (READ-ONLY COPY).

The authoritative reference and input builder live on the scoring server;
editing this copy changes nothing except your own understanding.
"""

import jax, jax.numpy as jnp
import numpy as np

VOCAB = 1000000
EMBED_DIM = 64
BATCH = 4096
HIST = 200

def setup_inputs(seed: int = 0) -> dict:
    key = jax.random.key(seed)
    k_idx, k_tab = jax.random.split(key)
    word = jax.random.randint(k_idx, (BATCH, HIST), 0, VOCAB, dtype=jnp.int64 if jax.config.jax_enable_x64 else jnp.int32)
    table = jax.random.normal(k_tab, (VOCAB, EMBED_DIM), dtype=jnp.float32) * 0.02
    return {"word": word, "table": table}

def reference(word, table):
    # nn.Embedding forward: gather rows of the table by index
    return jnp.take(table, word, axis=0)

if __name__ == "__main__":
    import jax
    _d = setup_inputs()
    print(jax.jit(kernel)(*tuple(_d.values())))

</pallas_src>

<mosaic_0001>
#map = affine_map<(d0, d1) -> (0, 0)>
module attributes {stable_mosaic.version = 14 : i64} {
  func.func @_gather_kernel(%arg0: i32, %arg1: i32, %arg2: memref<1000000x64xf32, #tpu.memory_space<hbm>>, %arg3: memref<1024x800xi32, #tpu.memory_space<hbm>>, %arg4: memref<819200x128xf32, #tpu.memory_space<hbm>>, %arg5: memref<2x1x800xi32, #tpu.memory_space<vmem>>, %arg6: memref<2x800x64xf32, #tpu.memory_space<vmem>>, %arg7: memref<!tpu.dma_semaphore, #tpu.memory_space<semaphore_mem>>, %arg8: memref<!tpu.dma_semaphore, #tpu.memory_space<semaphore_mem>>, %arg9: memref<!tpu.dma_semaphore, #tpu.memory_space<semaphore_mem>>, %arg10: memref<!tpu.dma_semaphore, #tpu.memory_space<semaphore_mem>>, %arg11: memref<!tpu.dma_semaphore, #tpu.memory_space<semaphore_mem>>, %arg12: memref<!tpu.dma_semaphore, #tpu.memory_space<semaphore_mem>>) attributes {dimension_semantics = [#tpu.dimension_semantics<core_parallel>, #tpu.dimension_semantics<subcore_parallel>], iteration_bounds = array<i64: 2, 16>, scalar_prefetch = 0 : i64, scratch_operands = 8 : i64, tpu.core_type = #tpu.core_type<sc_vector_subcore>, window_params = [{transform_indices = #map}, {transform_indices = #map}, {transform_indices = #map}]} {
    %mul3A = arith.constant 2 : i32
    %mul3A_0 = arith.muli %arg1, %mul3A : i32
    %add3A = arith.addi %mul3A_0, %arg0 : i32
    %mul3A_1 = arith.constant 32 : i32
    %mul3A_2 = arith.muli %add3A, %mul3A_1 : i32
    %add3A_3 = arith.constant 0 : i32
    %add3A_4 = arith.addi %mul3A_2, %add3A_3 : i32
    %dma_start3A = arith.constant 0 : i32
    %dma_start3A_5 = arith.constant 0 : i32
    %dma_start3A_6 = arith.constant 0 : i32
    %dma_start3A_7 = tpu.memref_slice %arg5[%dma_start3A, %dma_start3A_5, %dma_start3A_6] : memref<2x1x800xi32, #tpu.memory_space<vmem>> -> memref<1x1x800xi32, #tpu.memory_space<vmem>>
    %dma_start3A_8 = tpu.memref_squeeze %dma_start3A_7 : memref<1x1x800xi32, #tpu.memory_space<vmem>> -> memref<1x800xi32, #tpu.memory_space<vmem>>
    %dma_start3A_9 = arith.constant 0 : i32
    %dma_start3A_10 = tpu.memref_slice %arg3[%add3A_4, %dma_start3A_9] : memref<1024x800xi32, #tpu.memory_space<hbm>> -> memref<1x800xi32, #tpu.memory_space<hbm>>
    %dma_start3A_11 = arith.constant 0 : i32
    %dma_start3A_12 = arith.constant 0 : i32
    %dma_start3A_13 = tpu.memref_slice %arg5[%dma_start3A, %dma_start3A_11, %dma_start3A_12] : memref<2x1x800xi32, #tpu.memory_space<vmem>> -> memref<1x1x800xi32, #tpu.memory_space<vmem>>
    %dma_start3A_14 = tpu.memref_squeeze %dma_start3A_13 : memref<1x1x800xi32, #tpu.memory_space<vmem>> -> memref<1x800xi32, #tpu.memory_space<vmem>>
    %dma_start3A_15 = arith.constant 0 : i32
    %dma_start3A_16 = tpu.memref_slice %arg3[%add3A_4, %dma_start3A_15] : memref<1024x800xi32, #tpu.memory_space<hbm>> -> memref<1x800xi32, #tpu.memory_space<hbm>>
    tpu.enqueue_dma source(%dma_start3A_16 : memref<1x800xi32, #tpu.memory_space<hbm>>) target(%dma_start3A_14 : memref<1x800xi32, #tpu.memory_space<vmem>>) target_semaphore(%arg7 : memref<!tpu.dma_semaphore, #tpu.memory_space<semaphore_mem>>)
    %add3A_17 = arith.constant 1 : i32
    %add3A_18 = arith.addi %mul3A_2, %add3A_17 : i32
    %dma_start3A_19 = arith.constant 1 : i32
    %dma_start3A_20 = arith.constant 0 : i32
    %dma_start3A_21 = arith.constant 0 : i32
    %dma_start3A_22 = tpu.memref_slice %arg5[%dma_start3A_19, %dma_start3A_20, %dma_start3A_21] : memref<2x1x800xi32, #tpu.memory_space<vmem>> -> memref<1x1x800xi32, #tpu.memory_space<vmem>>
    %dma_start3A_23 = tpu.memref_squeeze %dma_start3A_22 : memref<1x1x800xi32, #tpu.memory_space<vmem>> -> memref<1x800xi32, #tpu.memory_space<vmem>>
    %dma_start3A_24 = arith.constant 0 : i32
    %dma_start3A_25 = tpu.memref_slice %arg3[%add3A_18, %dma_start3A_24] : memref<1024x800xi32, #tpu.memory_space<hbm>> -> memref<1x800xi32, #tpu.memory_space<hbm>>
    %dma_start3A_26 = arith.constant 0 : i32
    %dma_start3A_27 = arith.constant 0 : i32
    %dma_start3A_28 = tpu.memref_slice %arg5[%dma_start3A_19, %dma_start3A_26, %dma_start3A_27] : memref<2x1x800xi32, #tpu.memory_space<vmem>> -> memref<1x1x800xi32, #tpu.memory_space<vmem>>
    %dma_start3A_29 = tpu.memref_squeeze %dma_start3A_28 : memref<1x1x800xi32, #tpu.memory_space<vmem>> -> memref<1x800xi32, #tpu.memory_space<vmem>>
    %dma_start3A_30 = arith.constant 0 : i32
    %dma_start3A_31 = tpu.memref_slice %arg3[%add3A_18, %dma_start3A_30] : memref<1024x800xi32, #tpu.memory_space<hbm>> -> memref<1x800xi32, #tpu.memory_space<hbm>>
    tpu.enqueue_dma source(%dma_start3A_31 : memref<1x800xi32, #tpu.memory_space<hbm>>) target(%dma_start3A_29 : memref<1x800xi32, #tpu.memory_space<vmem>>) target_semaphore(%arg8 : memref<!tpu.dma_semaphore, #tpu.memory_space<semaphore_mem>>)
    %add3A_32 = arith.constant 0 : i32
    %add3A_33 = arith.addi %mul3A_2, %add3A_32 : i32
    %dma_wait3A = arith.constant 0 : i32
    %dma_wait3A_34 = arith.constant 0 : i32
    %dma_wait3A_35 = arith.constant 0 : i32
    %dma_wait3A_36 = tpu.memref_slice %arg5[%dma_wait3A, %dma_wait3A_34, %dma_wait3A_35] : memref<2x1x800xi32, #tpu.memory_space<vmem>> -> memref<1x1x800xi32, #tpu.memory_space<vmem>>
    %dma_wait3A_37 = tpu.memref_squeeze %dma_wait3A_36 : memref<1x1x800xi32, #tpu.memory_space<vmem>> -> memref<1x800xi32, #tpu.memory_space<vmem>>
    %dma_wait3A_38 = arith.constant 0 : i32
    %dma_wait3A_39 = tpu.memref_slice %arg3[%add3A_33, %dma_wait3A_38] : memref<1024x800xi32, #tpu.memory_space<hbm>> -> memref<1x800xi32, #tpu.memory_space<hbm>>
    %dma_wait3A_40 = arith.constant 0 : i32
    %dma_wait3A_41 = arith.constant 0 : i32
    %dma_wait3A_42 = tpu.memref_slice %arg5[%dma_wait3A, %dma_wait3A_40, %dma_wait3A_41] : memref<2x1x800xi32, #tpu.memory_space<vmem>> -> memref<1x1x800xi32, #tpu.memory_space<vmem>>
    %dma_wait3A_43 = tpu.memref_squeeze %dma_wait3A_42 : memref<1x1x800xi32, #tpu.memory_space<vmem>> -> memref<1x800xi32, #tpu.memory_space<vmem>>
    %dma_wait3A_44 = arith.constant 0 : i32
    %dma_wait3A_45 = tpu.memref_slice %arg3[%add3A_33, %dma_wait3A_44] : memref<1024x800xi32, #tpu.memory_space<hbm>> -> memref<1x800xi32, #tpu.memory_space<hbm>>
    tpu.wait_dma2 semaphore(%arg7 : memref<!tpu.dma_semaphore, #tpu.memory_space<semaphore_mem>>) src(%dma_wait3A_45 : memref<1x800xi32, #tpu.memory_space<hbm>>) dst(%dma_wait3A_43 : memref<1x800xi32, #tpu.memory_space<vmem>>)
    %dma_start3A_46 = arith.constant 0 : i32
    %dma_start3A_47 = arith.constant 0 : i32
    %dma_start3A_48 = arith.constant 0 : i32
    %dma_start3A_49 = arith.constant 0 : i32
    %dma_start3A_50 = arith.constant 0 : i32
    %dma_start3A_51 = tpu.memref_slice %arg6[%dma_start3A_48, %dma_start3A_49, %dma_start3A_50] : memref<2x800x64xf32, #tpu.memory_space<vmem>> -> memref<1x800x64xf32, #tpu.memory_space<vmem>>
    %dma_start3A_52 = tpu.memref_squeeze %dma_start3A_51 : memref<1x800x64xf32, #tpu.memory_space<vmem>> -> memref<800x64xf32, #tpu.memory_space<vmem>>
    %dma_start3A_53 = arith.constant 0 : i32
    %dma_start3A_54 = tpu.memref_slice %arg5[%dma_start3A_46, %dma_start3A_47, %dma_start3A_53] : memref<2x1x800xi32, #tpu.memory_space<vmem>> -> memref<1x1x800xi32, #tpu.memory_space<vmem>>
    %dma_start3A_55 = tpu.memref_squeeze %dma_start3A_54 : memref<1x1x800xi32, #tpu.memory_space<vmem>> -> memref<800xi32, #tpu.memory_space<vmem>>
    %dma_start3A_56 = arith.constant 0 : i32
    %dma_start3A_57 = arith.constant 0 : i32
    %dma_start3A_58 = tpu.memref_slice %arg2[%dma_start3A_56, %dma_start3A_57] : memref<1000000x64xf32, #tpu.memory_space<hbm>> -> memref<1000000x64xf32, #tpu.memory_space<hbm>>
    tpu.enqueue_indirect_dma source(%dma_start3A_58 : memref<1000000x64xf32, #tpu.memory_space<hbm>>) target(%dma_start3A_52 : memref<800x64xf32, #tpu.memory_space<vmem>>) offsets(%dma_start3A_55 : memref<800xi32, #tpu.memory_space<vmem>>) semaphore(%arg9 : memref<!tpu.dma_semaphore, #tpu.memory_space<semaphore_mem>>)
    %scan3A = arith.constant 0 : i32
    %scan3A_59 = arith.constant 0 : i32
    %scan3A_60 = arith.constant 16 : i32
    %scan3A_61 = arith.addi %scan3A_59, %scan3A_60 : i32
    %scan3A_62 = arith.constant 1 : i32
    scf.for %scan3A_98 = %scan3A_59 to %scan3A_61 step %scan3A_62  : i32 {
      %mul3A_99 = arith.constant 2 : i32
      %mul3A_100 = arith.muli %scan3A_98, %mul3A_99 : i32
      %dma_wait3A_101 = arith.constant 0 : i32
      %dma_wait3A_102 = arith.constant 0 : i32
      %dma_wait3A_103 = arith.constant 0 : i32
      %dma_wait3A_104 = arith.constant 0 : i32
      %dma_wait3A_105 = arith.constant 0 : i32
      %dma_wait3A_106 = tpu.memref_slice %arg6[%dma_wait3A_103, %dma_wait3A_104, %dma_wait3A_105] : memref<2x800x64xf32, #tpu.memory_space<vmem>> -> memref<1x800x64xf32, #tpu.memory_space<vmem>>
      %dma_wait3A_107 = tpu.memref_squeeze %dma_wait3A_106 : memref<1x800x64xf32, #tpu.memory_space<vmem>> -> memref<800x64xf32, #tpu.memory_space<vmem>>
      %dma_wait3A_108 = arith.constant 0 : i32
      %dma_wait3A_109 = tpu.memref_slice %arg5[%dma_wait3A_101, %dma_wait3A_102, %dma_wait3A_108] : memref<2x1x800xi32, #tpu.memory_space<vmem>> -> memref<1x1x800xi32, #tpu.memory_space<vmem>>
      %dma_wait3A_110 = tpu.memref_squeeze %dma_wait3A_109 : memref<1x1x800xi32, #tpu.memory_space<vmem>> -> memref<800xi32, #tpu.memory_space<vmem>>
      %dma_wait3A_111 = arith.constant 0 : i32
      %dma_wait3A_112 = arith.constant 0 : i32
      %dma_wait3A_113 = tpu.memref_slice %arg2[%dma_wait3A_111, %dma_wait3A_112] : memref<1000000x64xf32, #tpu.memory_space<hbm>> -> memref<1000000x64xf32, #tpu.memory_space<hbm>>
      tpu.wait_indirect_dma semaphore(%arg9 : memref<!tpu.dma_semaphore, #tpu.memory_space<semaphore_mem>>) src(%dma_wait3A_113 : memref<1000000x64xf32, #tpu.memory_space<hbm>>) dst(%dma_wait3A_107 : memref<800x64xf32, #tpu.memory_space<vmem>>)
      %mul3A_114 = arith.constant 25600 : i32
      %mul3A_115 = arith.muli %add3A, %mul3A_114 : i32
      %mul3A_116 = arith.constant 800 : i32
      %mul3A_117 = arith.muli %mul3A_100, %mul3A_116 : i32
      %add3A_118 = arith.addi %mul3A_115, %mul3A_117 : i32
      %dma_start3A_119 = arith.constant 0 : i32
      %dma_start3A_120 = arith.constant 0 : i32
      %dma_start3A_121 = arith.constant 0 : i32
      %dma_start3A_122 = tpu.memref_slice %arg6[%dma_start3A_119, %dma_start3A_120, %dma_start3A_121] : memref<2x800x64xf32, #tpu.memory_space<vmem>> -> memref<1x800x64xf32, #tpu.memory_space<vmem>>
      %dma_start3A_123 = tpu.memref_squeeze %dma_start3A_122 : memref<1x800x64xf32, #tpu.memory_space<vmem>> -> memref<800x64xf32, #tpu.memory_space<vmem>>
      %dma_start3A_124 = arith.constant 0 : i32
      %dma_start3A_125 = tpu.memref_slice %arg4[%add3A_118, %dma_start3A_124] : memref<819200x128xf32, #tpu.memory_space<hbm>> -> memref<800x64xf32, #tpu.memory_space<hbm>>
      %dma_start3A_126 = arith.constant 0 : i32
      %dma_start3A_127 = tpu.memref_slice %arg4[%add3A_118, %dma_start3A_126] : memref<819200x128xf32, #tpu.memory_space<hbm>> -> memref<800x64xf32, #tpu.memory_space<hbm>>
      %dma_start3A_128 = arith.constant 0 : i32
      %dma_start3A_129 = arith.constant 0 : i32
      %dma_start3A_130 = tpu.memref_slice %arg6[%dma_start3A_119, %dma_start3A_128, %dma_start3A_129] : memref<2x800x64xf32, #tpu.memory_space<vmem>> -> memref<1x800x64xf32, #tpu.memory_space<vmem>>
      %dma_start3A_131 = tpu.memref_squeeze %dma_start3A_130 : memref<1x800x64xf32, #tpu.memory_space<vmem>> -> memref<800x64xf32, #tpu.memory_space<vmem>>
      tpu.enqueue_dma source(%dma_start3A_131 : memref<800x64xf32, #tpu.memory_space<vmem>>) target(%dma_start3A_127 : memref<800x64xf32, #tpu.memory_space<hbm>>) target_semaphore(%arg11 : memref<!tpu.dma_semaphore, #tpu.memory_space<semaphore_mem>>)
      %add3A_132 = arith.constant 2 : i32
      %add3A_133 = arith.addi %mul3A_100, %add3A_132 : i32
      %lt3A = arith.constant 32 : i32
      %lt3A_134 = arith.cmpi slt, %add3A_133, %lt3A : i32
      %convert_element_type3A = arith.extui %lt3A_134 : i1 to i32
      %cond3A = arith.constant 0 : i32
      %cond3A_135 = arith.cmpi ne, %convert_element_type3A, %cond3A : i32
      scf.if %cond3A_135 {
        %add3A_190 = arith.constant 2 : i32
        %add3A_191 = arith.addi %mul3A_100, %add3A_190 : i32
        %mul3A_192 = arith.constant 1 : i32
        %mul3A_193 = arith.muli %add3A_191, %mul3A_192 : i32
        %add3A_194 = arith.addi %mul3A_2, %mul3A_193 : i32
        %dma_start3A_195 = arith.constant 0 : i32
        %dma_start3A_196 = arith.constant 0 : i32
        %dma_start3A_197 = arith.constant 0 : i32
        %dma_start3A_198 = tpu.memref_slice %arg5[%dma_start3A_195, %dma_start3A_196, %dma_start3A_197] : memref<2x1x800xi32, #tpu.memory_space<vmem>> -> memref<1x1x800xi32, #tpu.memory_space<vmem>>
        %dma_start3A_199 = tpu.memref_squeeze %dma_start3A_198 : memref<1x1x800xi32, #tpu.memory_space<vmem>> -> memref<1x800xi32, #tpu.memory_space<vmem>>
        %dma_start3A_200 = arith.constant 0 : i32
        %dma_start3A_201 = tpu.memref_slice %arg3[%add3A_194, %dma_start3A_200] : memref<1024x800xi32, #tpu.memory_space<hbm>> -> memref<1x800xi32, #tpu.memory_space<hbm>>
        %dma_start3A_202 = arith.constant 0 : i32
        %dma_start3A_203 = arith.constant 0 : i32
        %dma_start3A_204 = tpu.memref_slice %arg5[%dma_start3A_195, %dma_start3A_202, %dma_start3A_203] : memref<2x1x800xi32, #tpu.memory_space<vmem>> -> memref<1x1x800xi32, #tpu.memory_space<vmem>>
        %dma_start3A_205 = tpu.memref_squeeze %dma_start3A_204 : memref<1x1x800xi32, #tpu.memory_space<vmem>> -> memref<1x800xi32, #tpu.memory_space<vmem>>
        %dma_start3A_206 = arith.constant 0 : i32
        %dma_start3A_207 = tpu.memref_slice %arg3[%add3A_194, %dma_start3A_206] : memref<1024x800xi32, #tpu.memory_space<hbm>> -> memref<1x800xi32, #tpu.memory_space<hbm>>
        tpu.enqueue_dma source(%dma_start3A_207 : memref<1x800xi32, #tpu.memory_space<hbm>>) target(%dma_start3A_205 : memref<1x800xi32, #tpu.memory_space<vmem>>) target_semaphore(%arg7 : memref<!tpu.dma_semaphore, #tpu.memory_space<semaphore_mem>>)
      } else {
      }
      %add3A_136 = arith.constant 1 : i32
      %add3A_137 = arith.addi %mul3A_100, %add3A_136 : i32
      %lt3A_138 = arith.constant 32 : i32
      %lt3A_139 = arith.cmpi slt, %add3A_137, %lt3A_138 : i32
      %convert_element_type3A_140 = arith.extui %lt3A_139 : i1 to i32
      %cond3A_141 = arith.constant 0 : i32
      %cond3A_142 = arith.cmpi ne, %convert_element_type3A_140, %cond3A_141 : i32
      scf.if %cond3A_142 {
        %add3A_190 = arith.constant 1 : i32
        %add3A_191 = arith.addi %mul3A_100, %add3A_190 : i32
        %mul3A_192 = arith.constant 1 : i32
        %mul3A_193 = arith.muli %add3A_191, %mul3A_192 : i32
        %add3A_194 = arith.addi %mul3A_2, %mul3A_193 : i32
        %dma_wait3A_195 = arith.constant 1 : i32
        %dma_wait3A_196 = arith.constant 0 : i32
        %dma_wait3A_197 = arith.constant 0 : i32
        %dma_wait3A_198 = tpu.memref_slice %arg5[%dma_wait3A_195, %dma_wait3A_196, %dma_wait3A_197] : memref<2x1x800xi32, #tpu.memory_space<vmem>> -> memref<1x1x800xi32, #tpu.memory_space<vmem>>
        %dma_wait3A_199 = tpu.memref_squeeze %dma_wait3A_198 : memref<1x1x800xi32, #tpu.memory_space<vmem>> -> memref<1x800xi32, #tpu.memory_space<vmem>>
        %dma_wait3A_200 = arith.constant 0 : i32
        %dma_wait3A_201 = tpu.memref_slice %arg3[%add3A_194, %dma_wait3A_200] : memref<1024x800xi32, #tpu.memory_space<hbm>> -> memref<1x800xi32, #tpu.memory_space<hbm>>
        %dma_wait3A_202 = arith.constant 0 : i32
        %dma_wait3A_203 = arith.constant 0 : i32
        %dma_wait3A_204 = tpu.memref_slice %arg5[%dma_wait3A_195, %dma_wait3A_202, %dma_wait3A_203] : memref<2x1x800xi32, #tpu.memory_space<vmem>> -> memref<1x1x800xi32, #tpu.memory_space<vmem>>
        %dma_wait3A_205 = tpu.memref_squeeze %dma_wait3A_204 : memref<1x1x800xi32, #tpu.memory_space<vmem>> -> memref<1x800xi32, #tpu.memory_space<vmem>>
        %dma_wait3A_206 = arith.constant 0 : i32
        %dma_wait3A_207 = tpu.memref_slice %arg3[%add3A_194, %dma_wait3A_206] : memref<1024x800xi32, #tpu.memory_space<hbm>> -> memref<1x800xi32, #tpu.memory_space<hbm>>
        tpu.wait_dma2 semaphore(%arg8 : memref<!tpu.dma_semaphore, #tpu.memory_space<semaphore_mem>>) src(%dma_wait3A_207 : memref<1x800xi32, #tpu.memory_space<hbm>>) dst(%dma_wait3A_205 : memref<1x800xi32, #tpu.memory_space<vmem>>)
        %ge3A = arith.constant 1 : i32
        %ge3A_208 = arith.cmpi sge, %mul3A_100, %ge3A : i32
        %convert_element_type3A_209 = arith.extui %ge3A_208 : i1 to i32
        %cond3A_210 = arith.constant 0 : i32
        %cond3A_211 = arith.cmpi ne, %convert_element_type3A_209, %cond3A_210 : i32
        scf.if %cond3A_211 {
          %sub3A = arith.constant 1 : i32
          %sub3A_225 = arith.subi %mul3A_100, %sub3A : i32
          %mul3A_226 = arith.constant 25600 : i32
          %mul3A_227 = arith.muli %add3A, %mul3A_226 : i32
          %mul3A_228 = arith.constant 800 : i32
          %mul3A_229 = arith.muli %sub3A_225, %mul3A_228 : i32
          %add3A_230 = arith.addi %mul3A_227, %mul3A_229 : i32
          %dma_wait3A_231 = arith.constant 1 : i32
          %dma_wait3A_232 = arith.constant 0 : i32
          %dma_wait3A_233 = arith.constant 0 : i32
          %dma_wait3A_234 = tpu.memref_slice %arg6[%dma_wait3A_231, %dma_wait3A_232, %dma_wait3A_233] : memref<2x800x64xf32, #tpu.memory_space<vmem>> -> memref<1x800x64xf32, #tpu.memory_space<vmem>>
          %dma_wait3A_235 = tpu.memref_squeeze %dma_wait3A_234 : memref<1x800x64xf32, #tpu.memory_space<vmem>> -> memref<800x64xf32, #tpu.memory_space<vmem>>
          %dma_wait3A_236 = arith.constant 0 : i32
          %dma_wait3A_237 = tpu.memref_slice %arg4[%add3A_230, %dma_wait3A_236] : memref<819200x128xf32, #tpu.memory_space<hbm>> -> memref<800x64xf32, #tpu.memory_space<hbm>>
          %dma_wait3A_238 = arith.constant 0 : i32
          %dma_wait3A_239 = tpu.memref_slice %arg4[%add3A_230, %dma_wait3A_238] : memref<819200x128xf32, #tpu.memory_space<hbm>> -> memref<800x64xf32, #tpu.memory_space<hbm>>
          %dma_wait3A_240 = arith.constant 0 : i32
          %dma_wait3A_241 = arith.constant 0 : i32
          %dma_wait3A_242 = tpu.memref_slice %arg6[%dma_wait3A_231, %dma_wait3A_240, %dma_wait3A_241] : memref<2x800x64xf32, #tpu.memory_space<vmem>> -> memref<1x800x64xf32, #tpu.memory_space<vmem>>
          %dma_wait3A_243 = tpu.memref_squeeze %dma_wait3A_242 : memref<1x800x64xf32, #tpu.memory_space<vmem>> -> memref<800x64xf32, #tpu.memory_space<vmem>>
          tpu.wait_dma2 semaphore(%arg12 : memref<!tpu.dma_semaphore, #tpu.memory_space<semaphore_mem>>) src(%dma_wait3A_243 : memref<800x64xf32, #tpu.memory_space<vmem>>) dst(%dma_wait3A_239 : memref<800x64xf32, #tpu.memory_space<hbm>>)
        } else {
        }
        %dma_start3A_212 = arith.constant 1 : i32
        %dma_start3A_213 = arith.constant 0 : i32
        %dma_start3A_214 = arith.constant 1 : i32
        %dma_start3A_215 = arith.constant 0 : i32
        %dma_start3A_216 = arith.constant 0 : i32
        %dma_start3A_217 = tpu.memref_slice %arg6[%dma_start3A_214, %dma_start3A_215, %dma_start3A_216] : memref<2x800x64xf32, #tpu.memory_space<vmem>> -> memref<1x800x64xf32, #tpu.memory_space<vmem>>
        %dma_start3A_218 = tpu.memref_squeeze %dma_start3A_217 : memref<1x800x64xf32, #tpu.memory_space<vmem>> -> memref<800x64xf32, #tpu.memory_space<vmem>>
        %dma_start3A_219 = arith.constant 0 : i32
        %dma_start3A_220 = tpu.memref_slice %arg5[%dma_start3A_212, %dma_start3A_213, %dma_start3A_219] : memref<2x1x800xi32, #tpu.memory_space<vmem>> -> memref<1x1x800xi32, #tpu.memory_space<vmem>>
        %dma_start3A_221 = tpu.memref_squeeze %dma_start3A_220 : memref<1x1x800xi32, #tpu.memory_space<vmem>> -> memref<800xi32, #tpu.memory_space<vmem>>
        %dma_start3A_222 = arith.constant 0 : i32
        %dma_start3A_223 = arith.constant 0 : i32
        %dma_start3A_224 = tpu.memref_slice %arg2[%dma_start3A_222, %dma_start3A_223] : memref<1000000x64xf32, #tpu.memory_space<hbm>> -> memref<1000000x64xf32, #tpu.memory_space<hbm>>
        tpu.enqueue_indirect_dma source(%dma_start3A_224 : memref<1000000x64xf32, #tpu.memory_space<hbm>>) target(%dma_start3A_218 : memref<800x64xf32, #tpu.memory_space<vmem>>) offsets(%dma_start3A_221 : memref<800xi32, #tpu.memory_space<vmem>>) semaphore(%arg10 : memref<!tpu.dma_semaphore, #tpu.memory_space<semaphore_mem>>)
      } else {
      }
      %add3A_143 = arith.constant 1 : i32
      %add3A_144 = arith.addi %mul3A_100, %add3A_143 : i32
      %dma_wait3A_145 = arith.constant 1 : i32
      %dma_wait3A_146 = arith.constant 0 : i32
      %dma_wait3A_147 = arith.constant 1 : i32
      %dma_wait3A_148 = arith.constant 0 : i32
      %dma_wait3A_149 = arith.constant 0 : i32
      %dma_wait3A_150 = tpu.memref_slice %arg6[%dma_wait3A_147, %dma_wait3A_148, %dma_wait3A_149] : memref<2x800x64xf32, #tpu.memory_space<vmem>> -> memref<1x800x64xf32, #tpu.memory_space<vmem>>
      %dma_wait3A_151 = tpu.memref_squeeze %dma_wait3A_150 : memref<1x800x64xf32, #tpu.memory_space<vmem>> -> memref<800x64xf32, #tpu.memory_space<vmem>>
      %dma_wait3A_152 = arith.constant 0 : i32
      %dma_wait3A_153 = tpu.memref_slice %arg5[%dma_wait3A_145, %dma_wait3A_146, %dma_wait3A_152] : memref<2x1x800xi32, #tpu.memory_space<vmem>> -> memref<1x1x800xi32, #tpu.memory_space<vmem>>
      %dma_wait3A_154 = tpu.memref_squeeze %dma_wait3A_153 : memref<1x1x800xi32, #tpu.memory_space<vmem>> -> memref<800xi32, #tpu.memory_space<vmem>>
      %dma_wait3A_155 = arith.constant 0 : i32
      %dma_wait3A_156 = arith.constant 0 : i32
      %dma_wait3A_157 = tpu.memref_slice %arg2[%dma_wait3A_155, %dma_wait3A_156] : memref<1000000x64xf32, #tpu.memory_space<hbm>> -> memref<1000000x64xf32, #tpu.memory_space<hbm>>
      tpu.wait_indirect_dma semaphore(%arg10 : memref<!tpu.dma_semaphore, #tpu.memory_space<semaphore_mem>>) src(%dma_wait3A_157 : memref<1000000x64xf32, #tpu.memory_space<hbm>>) dst(%dma_wait3A_151 : memref<800x64xf32, #tpu.memory_space<vmem>>)
      %mul3A_158 = arith.constant 25600 : i32
      %mul3A_159 = arith.muli %add3A, %mul3A_158 : i32
      %mul3A_160 = arith.constant 800 : i32
      %mul3A_161 = arith.muli %add3A_144, %mul3A_160 : i32
      %add3A_162 = arith.addi %mul3A_159, %mul3A_161 : i32
      %dma_start3A_163 = arith.constant 1 : i32
      %dma_start3A_164 = arith.constant 0 : i32
      %dma_start3A_165 = arith.constant 0 : i32
      %dma_start3A_166 = tpu.memref_slice %arg6[%dma_start3A_163, %dma_start3A_164, %dma_start3A_165] : memref<2x800x64xf32, #tpu.memory_space<vmem>> -> memref<1x800x64xf32, #tpu.memory_space<vmem>>
      %dma_start3A_167 = tpu.memref_squeeze %dma_start3A_166 : memref<1x800x64xf32, #tpu.memory_space<vmem>> -> memref<800x64xf32, #tpu.memory_space<vmem>>
      %dma_start3A_168 = arith.constant 0 : i32
      %dma_start3A_169 = tpu.memref_slice %arg4[%add3A_162, %dma_start3A_168] : memref<819200x128xf32, #tpu.memory_space<hbm>> -> memref<800x64xf32, #tpu.memory_space<hbm>>
      %dma_start3A_170 = arith.constant 0 : i32
      %dma_start3A_171 = tpu.memref_slice %arg4[%add3A_162, %dma_start3A_170] : memref<819200x128xf32, #tpu.memory_space<hbm>> -> memref<800x64xf32, #tpu.memory_space<hbm>>
      %dma_start3A_172 = arith.constant 0 : i32
      %dma_start3A_173 = arith.constant 0 : i32
      %dma_start3A_174 = tpu.memref_slice %arg6[%dma_start3A_163, %dma_start3A_172, %dma_start3A_173] : memref<2x800x64xf32, #tpu.memory_space<vmem>> -> memref<1x800x64xf32, #tpu.memory_space<vmem>>
      %dma_start3A_175 = tpu.memref_squeeze %dma_start3A_174 : memref<1x800x64xf32, #tpu.memory_space<vmem>> -> memref<800x64xf32, #tpu.memory_space<vmem>>
      tpu.enqueue_dma source(%dma_start3A_175 : memref<800x64xf32, #tpu.memory_space<vmem>>) target(%dma_start3A_171 : memref<800x64xf32, #tpu.memory_space<hbm>>) target_semaphore(%arg12 : memref<!tpu.dma_semaphore, #tpu.memory_space<semaphore_mem>>)
      %add3A_176 = arith.constant 2 : i32
      %add3A_177 = arith.addi %add3A_144, %add3A_176 : i32
      %lt3A_178 = arith.constant 32 : i32
      %lt3A_179 = arith.cmpi slt, %add3A_177, %lt3A_178 : i32
      %convert_element_type3A_180 = arith.extui %lt3A_179 : i1 to i32
      %cond3A_181 = arith.constant 0 : i32
      %cond3A_182 = arith.cmpi ne, %convert_element_type3A_180, %cond3A_181 : i32
      scf.if %cond3A_182 {
        %add3A_190 = arith.constant 2 : i32
        %add3A_191 = arith.addi %add3A_144, %add3A_190 : i32
        %mul3A_192 = arith.constant 1 : i32
        %mul3A_193 = arith.muli %add3A_191, %mul3A_192 : i32
        %add3A_194 = arith.addi %mul3A_2, %mul3A_193 : i32
        %dma_start3A_195 = arith.constant 1 : i32
        %dma_start3A_196 = arith.constant 0 : i32
        %dma_start3A_197 = arith.constant 0 : i32
        %dma_start3A_198 = tpu.memref_slice %arg5[%dma_start3A_195, %dma_start3A_196, %dma_start3A_197] : memref<2x1x800xi32, #tpu.memory_space<vmem>> -> memref<1x1x800xi32, #tpu.memory_space<vmem>>
        %dma_start3A_199 = tpu.memref_squeeze %dma_start3A_198 : memref<1x1x800xi32, #tpu.memory_space<vmem>> -> memref<1x800xi32, #tpu.memory_space<vmem>>
        %dma_start3A_200 = arith.constant 0 : i32
        %dma_start3A_201 = tpu.memref_slice %arg3[%add3A_194, %dma_start3A_200] : memref<1024x800xi32, #tpu.memory_space<hbm>> -> memref<1x800xi32, #tpu.memory_space<hbm>>
        %dma_start3A_202 = arith.constant 0 : i32
        %dma_start3A_203 = arith.constant 0 : i32
        %dma_start3A_204 = tpu.memref_slice %arg5[%dma_start3A_195, %dma_start3A_202, %dma_start3A_203] : memref<2x1x800xi32, #tpu.memory_space<vmem>> -> memref<1x1x800xi32, #tpu.memory_space<vmem>>
        %dma_start3A_205 = tpu.memref_squeeze %dma_start3A_204 : memref<1x1x800xi32, #tpu.memory_space<vmem>> -> memref<1x800xi32, #tpu.memory_space<vmem>>
        %dma_start3A_206 = arith.constant 0 : i32
        %dma_start3A_207 = tpu.memref_slice %arg3[%add3A_194, %dma_start3A_206] : memref<1024x800xi32, #tpu.memory_space<hbm>> -> memref<1x800xi32, #tpu.memory_space<hbm>>
        tpu.enqueue_dma source(%dma_start3A_207 : memref<1x800xi32, #tpu.memory_space<hbm>>) target(%dma_start3A_205 : memref<1x800xi32, #tpu.memory_space<vmem>>) target_semaphore(%arg8 : memref<!tpu.dma_semaphore, #tpu.memory_space<semaphore_mem>>)
      } else {
      }
      %add3A_183 = arith.constant 1 : i32
      %add3A_184 = arith.addi %add3A_144, %add3A_183 : i32
      %lt3A_185 = arith.constant 32 : i32
      %lt3A_186 = arith.cmpi slt, %add3A_184, %lt3A_185 : i32
      %convert_element_type3A_187 = arith.extui %lt3A_186 : i1 to i32
      %cond3A_188 = arith.constant 0 : i32
      %cond3A_189 = arith.cmpi ne, %convert_element_type3A_187, %cond3A_188 : i32
      scf.if %cond3A_189 {
        %add3A_190 = arith.constant 1 : i32
        %add3A_191 = arith.addi %add3A_144, %add3A_190 : i32
        %mul3A_192 = arith.constant 1 : i32
        %mul3A_193 = arith.muli %add3A_191, %mul3A_192 : i32
        %add3A_194 = arith.addi %mul3A_2, %mul3A_193 : i32
        %dma_wait3A_195 = arith.constant 0 : i32
        %dma_wait3A_196 = arith.constant 0 : i32
        %dma_wait3A_197 = arith.constant 0 : i32
        %dma_wait3A_198 = tpu.memref_slice %arg5[%dma_wait3A_195, %dma_wait3A_196, %dma_wait3A_197] : memref<2x1x800xi32, #tpu.memory_space<vmem>> -> memref<1x1x800xi32, #tpu.memory_space<vmem>>
        %dma_wait3A_199 = tpu.memref_squeeze %dma_wait3A_198 : memref<1x1x800xi32, #tpu.memory_space<vmem>> -> memref<1x800xi32, #tpu.memory_space<vmem>>
        %dma_wait3A_200 = arith.constant 0 : i32
        %dma_wait3A_201 = tpu.memref_slice %arg3[%add3A_194, %dma_wait3A_200] : memref<1024x800xi32, #tpu.memory_space<hbm>> -> memref<1x800xi32, #tpu.memory_space<hbm>>
        %dma_wait3A_202 = arith.constant 0 : i32
        %dma_wait3A_203 = arith.constant 0 : i32
        %dma_wait3A_204 = tpu.memref_slice %arg5[%dma_wait3A_195, %dma_wait3A_202, %dma_wait3A_203] : memref<2x1x800xi32, #tpu.memory_space<vmem>> -> memref<1x1x800xi32, #tpu.memory_space<vmem>>
        %dma_wait3A_205 = tpu.memref_squeeze %dma_wait3A_204 : memref<1x1x800xi32, #tpu.memory_space<vmem>> -> memref<1x800xi32, #tpu.memory_space<vmem>>
        %dma_wait3A_206 = arith.constant 0 : i32
        %dma_wait3A_207 = tpu.memref_slice %arg3[%add3A_194, %dma_wait3A_206] : memref<1024x800xi32, #tpu.memory_space<hbm>> -> memref<1x800xi32, #tpu.memory_space<hbm>>
        tpu.wait_dma2 semaphore(%arg7 : memref<!tpu.dma_semaphore, #tpu.memory_space<semaphore_mem>>) src(%dma_wait3A_207 : memref<1x800xi32, #tpu.memory_space<hbm>>) dst(%dma_wait3A_205 : memref<1x800xi32, #tpu.memory_space<vmem>>)
        %ge3A = arith.constant 1 : i32
        %ge3A_208 = arith.cmpi sge, %add3A_144, %ge3A : i32
        %convert_element_type3A_209 = arith.extui %ge3A_208 : i1 to i32
        %cond3A_210 = arith.constant 0 : i32
        %cond3A_211 = arith.cmpi ne, %convert_element_type3A_209, %cond3A_210 : i32
        scf.if %cond3A_211 {
          %sub3A = arith.constant 1 : i32
          %sub3A_225 = arith.subi %add3A_144, %sub3A : i32
          %mul3A_226 = arith.constant 25600 : i32
          %mul3A_227 = arith.muli %add3A, %mul3A_226 : i32
          %mul3A_228 = arith.constant 800 : i32
          %mul3A_229 = arith.muli %sub3A_225, %mul3A_228 : i32
          %add3A_230 = arith.addi %mul3A_227, %mul3A_229 : i32
          %dma_wait3A_231 = arith.constant 0 : i32
          %dma_wait3A_232 = arith.constant 0 : i32
          %dma_wait3A_233 = arith.constant 0 : i32
          %dma_wait3A_234 = tpu.memref_slice %arg6[%dma_wait3A_231, %dma_wait3A_232, %dma_wait3A_233] : memref<2x800x64xf32, #tpu.memory_space<vmem>> -> memref<1x800x64xf32, #tpu.memory_space<vmem>>
          %dma_wait3A_235 = tpu.memref_squeeze %dma_wait3A_234 : memref<1x800x64xf32, #tpu.memory_space<vmem>> -> memref<800x64xf32, #tpu.memory_space<vmem>>
          %dma_wait3A_236 = arith.constant 0 : i32
          %dma_wait3A_237 = tpu.memref_slice %arg4[%add3A_230, %dma_wait3A_236] : memref<819200x128xf32, #tpu.memory_space<hbm>> -> memref<800x64xf32, #tpu.memory_space<hbm>>
          %dma_wait3A_238 = arith.constant 0 : i32
          %dma_wait3A_239 = tpu.memref_slice %arg4[%add3A_230, %dma_wait3A_238] : memref<819200x128xf32, #tpu.memory_space<hbm>> -> memref<800x64xf32, #tpu.memory_space<hbm>>
          %dma_wait3A_240 = arith.constant 0 : i32
          %dma_wait3A_241 = arith.constant 0 : i32
          %dma_wait3A_242 = tpu.memref_slice %arg6[%dma_wait3A_231, %dma_wait3A_240, %dma_wait3A_241] : memref<2x800x64xf32, #tpu.memory_space<vmem>> -> memref<1x800x64xf32, #tpu.memory_space<vmem>>
          %dma_wait3A_243 = tpu.memref_squeeze %dma_wait3A_242 : memref<1x800x64xf32, #tpu.memory_space<vmem>> -> memref<800x64xf32, #tpu.memory_space<vmem>>
          tpu.wait_dma2 semaphore(%arg11 : memref<!tpu.dma_semaphore, #tpu.memory_space<semaphore_mem>>) src(%dma_wait3A_243 : memref<800x64xf32, #tpu.memory_space<vmem>>) dst(%dma_wait3A_239 : memref<800x64xf32, #tpu.memory_space<hbm>>)
        } else {
        }
        %dma_start3A_212 = arith.constant 0 : i32
        %dma_start3A_213 = arith.constant 0 : i32
        %dma_start3A_214 = arith.constant 0 : i32
        %dma_start3A_215 = arith.constant 0 : i32
        %dma_start3A_216 = arith.constant 0 : i32
        %dma_start3A_217 = tpu.memref_slice %arg6[%dma_start3A_214, %dma_start3A_215, %dma_start3A_216] : memref<2x800x64xf32, #tpu.memory_space<vmem>> -> memref<1x800x64xf32, #tpu.memory_space<vmem>>
        %dma_start3A_218 = tpu.memref_squeeze %dma_start3A_217 : memref<1x800x64xf32, #tpu.memory_space<vmem>> -> memref<800x64xf32, #tpu.memory_space<vmem>>
        %dma_start3A_219 = arith.constant 0 : i32
        %dma_start3A_220 = tpu.memref_slice %arg5[%dma_start3A_212, %dma_start3A_213, %dma_start3A_219] : memref<2x1x800xi32, #tpu.memory_space<vmem>> -> memref<1x1x800xi32, #tpu.memory_space<vmem>>
        %dma_start3A_221 = tpu.memref_squeeze %dma_start3A_220 : memref<1x1x800xi32, #tpu.memory_space<vmem>> -> memref<800xi32, #tpu.memory_space<vmem>>
        %dma_start3A_222 = arith.constant 0 : i32
        %dma_start3A_223 = arith.constant 0 : i32
        %dma_start3A_224 = tpu.memref_slice %arg2[%dma_start3A_222, %dma_start3A_223] : memref<1000000x64xf32, #tpu.memory_space<hbm>> -> memref<1000000x64xf32, #tpu.memory_space<hbm>>
        tpu.enqueue_indirect_dma source(%dma_start3A_224 : memref<1000000x64xf32, #tpu.memory_space<hbm>>) target(%dma_start3A_218 : memref<800x64xf32, #tpu.memory_space<vmem>>) offsets(%dma_start3A_221 : memref<800xi32, #tpu.memory_space<vmem>>) semaphore(%arg9 : memref<!tpu.dma_semaphore, #tpu.memory_space<semaphore_mem>>)
      } else {
      }
    }
    %scan3A_63 = arith.constant 16 : i32
    %mul3A_64 = arith.constant 25600 : i32
    %mul3A_65 = arith.muli %add3A, %mul3A_64 : i32
    %add3A_66 = arith.constant 24000 : i32
    %add3A_67 = arith.addi %mul3A_65, %add3A_66 : i32
    %dma_wait3A_68 = arith.constant 0 : i32
    %dma_wait3A_69 = arith.constant 0 : i32
    %dma_wait3A_70 = arith.constant 0 : i32
    %dma_wait3A_71 = tpu.memref_slice %arg6[%dma_wait3A_68, %dma_wait3A_69, %dma_wait3A_70] : memref<2x800x64xf32, #tpu.memory_space<vmem>> -> memref<1x800x64xf32, #tpu.memory_space<vmem>>
    %dma_wait3A_72 = tpu.memref_squeeze %dma_wait3A_71 : memref<1x800x64xf32, #tpu.memory_space<vmem>> -> memref<800x64xf32, #tpu.memory_space<vmem>>
    %dma_wait3A_73 = arith.constant 0 : i32
    %dma_wait3A_74 = tpu.memref_slice %arg4[%add3A_67, %dma_wait3A_73] : memref<819200x128xf32, #tpu.memory_space<hbm>> -> memref<800x64xf32, #tpu.memory_space<hbm>>
    %dma_wait3A_75 = arith.constant 0 : i32
    %dma_wait3A_76 = tpu.memref_slice %arg4[%add3A_67, %dma_wait3A_75] : memref<819200x128xf32, #tpu.memory_space<hbm>> -> memref<800x64xf32, #tpu.memory_space<hbm>>
    %dma_wait3A_77 = arith.constant 0 : i32
    %dma_wait3A_78 = arith.constant 0 : i32
    %dma_wait3A_79 = tpu.memref_slice %arg6[%dma_wait3A_68, %dma_wait3A_77, %dma_wait3A_78] : memref<2x800x64xf32, #tpu.memory_space<vmem>> -> memref<1x800x64xf32, #tpu.memory_space<vmem>>
    %dma_wait3A_80 = tpu.memref_squeeze %dma_wait3A_79 : memref<1x800x64xf32, #tpu.memory_space<vmem>> -> memref<800x64xf32, #tpu.memory_space<vmem>>
    tpu.wait_dma2 semaphore(%arg11 : memref<!tpu.dma_semaphore, #tpu.memory_space<semaphore_mem>>) src(%dma_wait3A_80 : memref<800x64xf32, #tpu.memory_space<vmem>>) dst(%dma_wait3A_76 : memref<800x64xf32, #tpu.memory_space<hbm>>)
    %mul3A_81 = arith.constant 25600 : i32
    %mul3A_82 = arith.muli %add3A, %mul3A_81 : i32
    %add3A_83 = arith.constant 24800 : i32
    %add3A_84 = arith.addi %mul3A_82, %add3A_83 : i32
    %dma_wait3A_85 = arith.constant 1 : i32
    %dma_wait3A_86 = arith.constant 0 : i32
    %dma_wait3A_87 = arith.constant 0 : i32
    %dma_wait3A_88 = tpu.memref_slice %arg6[%dma_wait3A_85, %dma_wait3A_86, %dma_wait3A_87] : memref<2x800x64xf32, #tpu.memory_space<vmem>> -> memref<1x800x64xf32, #tpu.memory_space<vmem>>
    %dma_wait3A_89 = tpu.memref_squeeze %dma_wait3A_88 : memref<1x800x64xf32, #tpu.memory_space<vmem>> -> memref<800x64xf32, #tpu.memory_space<vmem>>
    %dma_wait3A_90 = arith.constant 0 : i32
    %dma_wait3A_91 = tpu.memref_slice %arg4[%add3A_84, %dma_wait3A_90] : memref<819200x128xf32, #tpu.memory_space<hbm>> -> memref<800x64xf32, #tpu.memory_space<hbm>>
    %dma_wait3A_92 = arith.constant 0 : i32
    %dma_wait3A_93 = tpu.memref_slice %arg4[%add3A_84, %dma_wait3A_92] : memref<819200x128xf32, #tpu.memory_space<hbm>> -> memref<800x64xf32, #tpu.memory_space<hbm>>
    %dma_wait3A_94 = arith.constant 0 : i32
    %dma_wait3A_95 = arith.constant 0 : i32
    %dma_wait3A_96 = tpu.memref_slice %arg6[%dma_wait3A_85, %dma_wait3A_94, %dma_wait3A_95] : memref<2x800x64xf32, #tpu.memory_space<vmem>> -> memref<1x800x64xf32, #tpu.memory_space<vmem>>
    %dma_wait3A_97 = tpu.memref_squeeze %dma_wait3A_96 : memref<1x800x64xf32, #tpu.memory_space<vmem>> -> memref<800x64xf32, #tpu.memory_space<vmem>>
    tpu.wait_dma2 semaphore(%arg12 : memref<!tpu.dma_semaphore, #tpu.memory_space<semaphore_mem>>) src(%dma_wait3A_97 : memref<800x64xf32, #tpu.memory_space<vmem>>) dst(%dma_wait3A_93 : memref<800x64xf32, #tpu.memory_space<hbm>>)
    return
  }
}

</mosaic_0001>

<sc_bundles>
// kernel: kernel.3.cloned.1.call-start
scs
__scs_entry_jumppad:
0x0: {  	(pc) =	sbr.rel $0x88, $3  }
0x1: {  	(tag) =	ssettag $0x0;
	lr =	simm.s32 $0x1  }
0x2: {  	[smem:$0x3F9F] =	sst lr;
	_ =	strace $0xD0000000  }
0x3: {  	_ = 	snop  }
0x4: {  	_ = 	snop  }
0x5: {  	_ = 	snop  }
0x6: {  	_ = 	snop  }
0x7: {  	_ = 	snop  }
__scs_overlays_trampoline_lowered:
0x8: {  	[smem:$0x3FAE] =	sst s0  }
0x9: {  	[smem:$0x3FAF] =	sst s1  }
0xa: {  	[smem:$0x3FB0] =	sst s2  }
0xb: {  	[smem:$0x3FB1] =	sst s3  }
0xc: {  	[smem:$0x3FB2] =	sst s4  }
0xd: {  	[smem:$0x3FB3] =	sst s5  }
0xe: {  	[smem:$0x3FB4] =	sst s6  }
0xf: {  	[smem:$0x3FB5] =	sst s7  }
0x10: {  	[smem:$0x3FB6] =	sst s8  }
0x11: {  	[smem:$0x3FB7] =	sst s9;
	s0 =	simm.s32 @!p0 $0x0  }
0x12: {  	s1 =	sld [smem:$0x3F9D];
	s0 =	simm.s32 @p0 $0x1  }
0x13: {  	[smem:$0x3FB8] =	sst s0;
	s0 =	simm.s32 @!p1 $0x0  }
0x14: {  	s2 =	sld [smem:$0x3F9C];
	s0 =	simm.s32 @p1 $0x1  }
0x15: {  	[smem:$0x3FB9] =	sst s0;
	s0 =	simm.s32 @!p2 $0x0  }
0x16: {  	s3 =	sld [smem:$0x3FDB];
	s0 =	simm.s32 @p2 $0x1  }
0x17: {  	s4 =	simm.s32 $0x1BF5;
	[smem:$0x3FBB] =	sst s0  }
0x18: {  	s0 =	sld [smem:$0x3F9E];
	_ =	swait.ge [sflag:s4], $0x0  }
0x19: {  	s7 =	sld [smem:$0x3F9F]  }
0x1a: {  	s8 =	sadd.s32 $0xFFFFE003, lr  }
0x1b: {  	s9 =	sadd.s32 $0xFFFFFEF7, lr;
	s5 =	simm.s32 $0xFFFFFFFF;
	p2 =	slt.u32 s8, $0xFFFFF086  }
0x1c: {  	p1 =	slt.u32 s9, $0xF7A;
	s5 =	simm.s32 @!p2 $0x0  }
0x1d: {  	s5 =	simm.s32 @p1 $0x1;
	p0 =	seq.s32 s7, s2  }
0x1e: {  	s7 =	smul.u32 @!p0 $0xF7A, s2;
	p2 =	seq.s32 @!p0 s5, $0x0  }
0x1f: {  	s9 =	smul.u32 $0xF7A, s1;
	s8 =	simm.s32 @!p0 $0x1BF5;
	p2 =	por !p2, p0  }
0x20: {  	[sflag:s8] =	ssyncset.s32 @!p0 $0xFFFFF086;
	s6 =	sadd.s32 @!p0 s3, s7;
	s7 =	simm.s32 @!p0 $0x108  }
0x21: {  	s3 =	sadd.s32 s3, s9;
	s6 =	sadd.s32 @!p0 $0x88, s6;
	s7 =	simm.s32 @p2 $0x1082  }
0x22: {  	[simem:s7], [sflag:s8] =	dma.local @!p0 [hbm:s6], $0xF7A  }
0x23: {  	s9 =	sor.u32 $0xD0000000, s2;
	s6 =	simm.s32 $0x108;
	_ =	swait.ge @!p0 [sflag:s8], $0x0  }
0x24: {  	s3 =	sadd.s32 $0x88, s3;
	s6 =	simm.s32 @!p1 $0x1082;
	[sflag:s4] =	ssyncset.s32 $0xFFFFF086  }
0x25: {  	[simem:s6], [sflag:s4] =	dma.local [hbm:s3], $0xF7A  }
0x26: {  	[smem:$0x3F9F] =	sst s1;
	(tag) =	ssettag s2;
	_ =	strace s9  }
0x27: {  	s1 =	sld [smem:$0x3FAF]  }
0x28: {  	s2 =	sld [smem:$0x3FB0]  }
0x29: {  	s4 =	sld [smem:$0x3FB2]  }
0x2a: {  	p0 =	seq.s32 s5, $0x0;
	s5 =	sld [smem:$0x3FB3]  }
0x2b: {  	s6 =	sld [smem:$0x3FB4]  }
0x2c: {  	s7 =	sld [smem:$0x3FB5]  }
0x2d: {  	s3 =	simm.s32 $0x108;
	s8 =	sld [smem:$0x3FB6]  }
0x2e: {  	s3 =	simm.s32 @!p0 $0x1082;
	s9 =	sld [smem:$0x3FB7]  }
0x2f: {  	lr =	sadd.s32 s0, s3;
	s0 =	sld [smem:$0x3FAE]  }
0x30: {  	s3 =	sld [smem:$0x3FB1]  }
0x31: {  	[smem:$0x3FBA] =	sst s10  }
0x32: {  	s10 =	sld [smem:$0x3FB8];
	_ =	sdelay $0x3  }
0x33: {  	p0 =	seq.s32 s10, $0x1;
	s10 =	sld [smem:$0x3FBA];
	_ =	sdelay $0x3  }
0x34: {  	[smem:$0x3FBA] =	sst s10  }
0x35: {  	s10 =	sld [smem:$0x3FB9];
	_ =	sdelay $0x3  }
0x36: {  	p1 =	seq.s32 s10, $0x1;
	s10 =	sld [smem:$0x3FBA];
	_ =	sdelay $0x3  }
0x37: {  	[smem:$0x3FBA] =	sst s10  }
0x38: {  	s10 =	sld [smem:$0x3FBB]  }
0x39: {  	_ = 	snop;
	(pc) =	sbr.ind lr, $3  }
0x3a: {  	_ = 	snop  }
0x3b: {  	_ = 	snop  }
0x3c: {  	p2 =	seq.s32 s10, $0x1;
	s10 =	sld [smem:$0x3FBA]  }
0x3d: {  	_ =	shalt  }
0x3e: {  	_ =	shalt  }
0x3f: {  	_ =	shalt  }
0x40: {  	_ =	shalt  }
0x41: {  	_ =	shalt  }
0x42: {  	_ =	shalt  }
0x43: {  	_ =	shalt  }
0x44: {  	_ =	shalt  }
0x45: {  	_ =	shalt  }
0x46: {  	_ =	shalt  }
0x47: {  	_ =	shalt  }
0x48: {  	_ =	shalt  }
0x49: {  	_ =	shalt  }
0x4a: {  	_ =	shalt  }
0x4b: {  	_ =	shalt  }
0x4c: {  	_ =	shalt  }
0x4d: {  	_ =	shalt  }
0x4e: {  	_ =	shalt  }
0x4f: {  	_ =	shalt  }
0x50: {  	_ =	shalt  }
0x51: {  	_ =	shalt  }
0x52: {  	_ =	shalt  }
0x53: {  	_ =	shalt  }
0x54: {  	_ =	shalt  }
0x55: {  	_ =	shalt  }
0x56: {  	_ =	shalt  }
0x57: {  	_ =	shalt  }
0x58: {  	_ =	shalt  }
0x59: {  	_ =	shalt  }
0x5a: {  	_ =	shalt  }
0x5b: {  	_ =	shalt  }
0x5c: {  	_ =	shalt  }
0x5d: {  	_ =	shalt  }
0x5e: {  	_ =	shalt  }
0x5f: {  	_ =	shalt  }
0x60: {  	_ =	shalt  }
0x61: {  	_ =	shalt  }
0x62: {  	_ =	shalt  }
0x63: {  	_ =	shalt  }
0x64: {  	_ =	shalt  }
0x65: {  	_ =	shalt  }
0x66: {  	_ =	shalt  }
0x67: {  	_ =	shalt  }
0x68: {  	_ =	shalt  }
0x69: {  	_ =	shalt  }
0x6a: {  	_ =	shalt  }
0x6b: {  	_ =	shalt  }
0x6c: {  	_ =	shalt  }
0x6d: {  	_ =	shalt  }
0x6e: {  	_ =	shalt  }
0x6f: {  	_ =	shalt  }
0x70: {  	_ =	shalt  }
0x71: {  	_ =	shalt  }
0x72: {  	_ =	shalt  }
0x73: {  	_ =	shalt  }
0x74: {  	_ =	shalt  }
0x75: {  	_ =	shalt  }
0x76: {  	_ =	shalt  }
0x77: {  	_ =	shalt  }
0x78: {  	_ =	shalt  }
0x79: {  	_ =	shalt  }
0x7a: {  	_ =	shalt  }
0x7b: {  	_ =	shalt  }
0x7c: {  	_ =	shalt  }
0x7d: {  	_ =	shalt  }
0x7e: {  	_ =	shalt  }
0x7f: {  	_ =	shalt  }
0x80: {  	_ =	shalt  }
0x81: {  	_ =	shalt  }
0x82: {  	_ =	shalt  }
0x83: {  	_ =	shalt  }
0x84: {  	_ =	shalt  }
0x85: {  	_ =	shalt  }
0x86: {  	_ =	shalt  }
0x87: {  	_ =	shalt  }
.Lfunc_end0:
.L_simem_size_0:
called_computation.1_lowered:
.L_overlay_start_0:
0x88: {  	s2 =	sld [smem:$0x3FD9]  }
0x89: {  	s3 =	sld [smem:$0x3FFE];
	_ =	sdelay $0x1  }
0x8a: {  	s1 =	srdreg.scid  }
0x8b: {  	s0 =	sand.u32 $0x1, s1  }
0x8c: {  	s17 =	sshll.u32 s0, $0xA;
	s2 =	sadd.s32 s3, s2  }
0x8d: {  	s2 =	sadd.s32 s2, s17  }
0x8e: {  	[smem:$0x3FC6] =	sst s2  }
0x8f: {  	_ = 	snop  }
0x90: {  	s2 =	sld [smem:$0x3FD0];
	(tm) =	ssettm $0x1  }
0x91: {  	s18 =	sld [smem:$0x3FFB];
	_ =	sdelay $0x3  }
0x92: {  	_ =	strace s18  }
0x93: {  	s3 =	sld [smem:$0x3FFC];
	_ =	sdelay $0x3  }
0x94: {  	_ =	strace s3  }
0x95: {  	s3 =	sld [smem:$0x3FFD];
	_ =	sdelay $0x3  }
0x96: {  	_ =	strace s3  }
0x97: {  	_ =	strace $0x8FFFFFFF  }
0x98: {  	s19 =	sld [smem:$0x3FDB];
	_ =	sdelay $0x1  }
0x99: {  	s4 =	simm.s32 $_scs_section_size  }
0x9a: {  	s5 =	simm.s32 $_size__tile_overlayer_lowered;
	s6 =	simm.s32 $_tile_overlayer_lowered  }
0x9b: {  	s22 =	simm.s32 $0x1BFF;
	s21 =	sshll.u32 s6, $0x1;
	s3 =	sadd.s32 s4, s19  }
0x9c: {  	s7 =	simm.s32 $0x0;
	s20 =	sshll.u32 s5, $0x1;
	s5 =	sadd.s32 s21, s3  }
0x9d: {  	[timem:s7], [sflag:s22] =	dma.local [hbm:s5], s20  }
0x9e: {  	_ =	swait.ge [sflag:s22], s20  }
0x9f: {  	s4 =	ssub.s32 $0x0, s20;
	[sflag:s22] =	ssyncset.done $0x0  }
0xa0: {  	[sflag:s22] =	ssyncadd.s32 s4;
	_ =	sdelay $0x1  }
0xa1: {  	s23 =	simm.s32 $0x1B8B  }
0xa2: {  	_ =	swait.ge [sflag:s23], $0x1  }
0xa3: {  	[sflag:s23] =	ssyncset.done $0x0  }
0xa4: {  	s25 =	simm.s32 $0x1B8E;
	s24 =	sld [smem:$0x3FFE];
	[sflag:s23] =	ssyncadd.s32 $0xFFFFFFFF  }
0xa5: {  	s26 =	simm.s32 $execute0_lowered;
	[smem:$0x3FD2] =	sst s25  }
0xa6: {  	s5 =	sshll.u32 s26, $0x1;
	_ =	strace $0x80000046;
	[dreg:$0x1] =	wrdreg $0xFFFFFFFF  }
0xa7: {  	s28 =	simm.s32 $_size_execute0_lowered;
	s3 =	sadd.s32 s3, s5;
	[dreg:$0x0] =	wrdreg $0x0  }
0xa8: {  	s5 =	sshll.u32 s28, $0x1;
	[dreg:$0x2] =	wrdreg s3  }
0xa9: {  	[dreg:$0x3] =	wrdreg s5  }
0xaa: {  	[dreg:$0x4] =	wrdreg $0xC0  }
0xab: {  	_ =	task [dreg:s7], $0x5FFFF  }
0xac: {  	[dreg:$0x1] =	wrdreg $0xFFFFFFFF  }
0xad: {  	[dreg:$0x0] =	wrdreg $0x60  }
0xae: {  	[dreg:$0x2] =	wrdreg s24  }
0xaf: {  	[dreg:$0x3] =	wrdreg s2  }
0xb0: {  	[dreg:$0x4] =	wrdreg $0x9  }
0xb1: {  	_ =	task.clear_ibuf [dreg:s7], $0x5FFFF;
	_ =	strace $0x90000046  }
0xb2: {  	s29 =	simm.s32 $0x9;
	_ =	strace $0x80000048  }
0xb3: {  	_ =	swait.ge [sflag:s29], $0x1  }
0xb4: {  	[sflag:s29] =	ssyncadd.s32 $0xFFFFFFFF  }
0xb5: {  	_ =	strace $0x90000048  }
0xb6: {  	_ =	sfence  }
0xb7: {  	s30 =	sld [smem:$0x0];
	_ =	sdelay $0x2  }
0xb8: {  	s31 =	sshll.u32 s1, $0xD;
	s1 =	sshrl.u32 s1, $0x2  }
0xb9: {  	s3 =	sand.u32 $0x4000, s31;
	s1 =	sadd.s32 s1, s30  }
0xba: {  	s0 =	sor.u32 s3, s0;
	s1 =	sshll.u32 s1, $0x11  }
0xbb: {  	s0 =	sor.u32 s1, s0  }
0xbc: {  	s0 =	sadd.s32 $0x8F2B, s0  }
0xbd: {  	[sflag:s0] =	ssyncadd.remote.s32 $0x1  }
0xbe: {  	_ =	sfence.sel $0xFFFF  }
0xbf: {  	[dreg:$0x0] =	wrdreg $0xFFFFFFFF;
	(pc) =	sbr.abs _section_cstart, $3  }
0xc0: {  	[dreg:$0x1] =	wrdreg $0xFFFFFFFF  }
0xc1: {  	_ =	task.clear_ibuf [dreg:s7], $0x2FFFF;
	_ =	strace $0x9FFFFFFF  }
0xc2: {  	(tm) =	ssettm $0x7FFFFFFF  }
0xc3: {  	_ =	shalt  }
tec
execute0_lowered:
.L_overlay_start_1:
0x0: {  	(tag) =	ssettag $0x1  }
0x1: {  	s4 =	rddreg [dreg:$0x0];
	s1 =	srdreg.scid  }
0x2: {  	s0 =	stileid.u32;
	s11 =	rddreg [dreg:$0x1];
	s19 =	simm.s32 $0x80  }
0x3: {  	s20 =	simm.s32 $0x2;
	s21 =	simm.s32 $0xCE40;
	s14 =	smul.u32 $0xC800, s0  }
0x4: {  	s22 =	simm.s32 $0x4;
	s23 =	simm.s32 $0x5;
	s16 =	smul.u32 $0xC8000, s0  }
0x5: {  	s24 =	simm.s32 $0x6;
	s12 =	sand.u32 $0x1, s1;
	s18 =	smul.u32 $0x1900, s0  }
0x6: {  	s2 =	sshll.u32 s0, $0x1;
	s1 =	rddreg [dreg:$0x2];
	s15 =	smul.u32 $0x6400, s12  }
0x7: {  	s13 =	sadd.s32 $0xA00, s4;
	s3 =	sor.u32 s12, s2;
	s17 =	smul.u32 $0x64000, s12  }
0x8: {  	s2 =	simm.s32 $0x0;
	s25 =	ssub.s32 $0x2, s12;
	s12 =	smul.u32 $0xC80, s12  }
0x9: {  	s5 =	sshll.u32 s3, $0x5;
	s6 =	smul.u32 $0xC80, s3;
	[smem:$0x7FF] =	sst s2  }
0xa: {  	s8 =	smul.u32 $0x64000, s3;
	s3 =	sadd.s32 $0xF42E00, s4;
	s26 =	sshrl.u32 s25, $0x1  }
0xb: {  	s29 =	sadd.s32 s16, s13;
	s16 =	simm.s32 $0x640;
	s7 =	sor.u32 $0x2, s5  }
0xc: {  	_ =	strace $0x80000047;
	s5 =	sor.u32 $0x3, s5;
	s28 =	ssub.s32 s25, s26  }
0xd: {  	s14 =	sadd.s32 s15, s14;
	s30 =	sadd.s32 s17, s29;
	s15 =	simm.s32 $0x1  }
0xe: {  	s17 =	simm.s32 $0x3;
	s25 =	simm.s32 $0x0;
	s9 =	smul.u32 $0x64, s7  }
0xf: {  	s10 =	smul.u32 $0x64, s5;
	s4 =	sadd.s32 s11, s6;
	s6 =	smax.u32 s28, $0x1  }
.Ltmp0:
0x10: {  	s7 =	sadd.s32 s13, s8;
	s14 =	sshll.u32 s14, $0x4;
	(pc) =	sbr.rel .LBB2_1-.Ltmp0, $4  }
0x11: {  	s5 =	sadd.s32 $0x64, s4;
	s13 =	sadd.s32 s13, s14;
	s14 =	simm.s32 $0x320  }
0x12: {  	s8 =	sadd.s32 s11, s9;
	s10 =	sadd.s32 s11, s10;
	s11 =	sadd.s32 s18, s11  }
0x13: {  	s9 =	sadd.s32 $0x3200, s7;
	s18 =	simm.s32 $0x40;
	s31 =	sadd.s32 s12, s11  }
0x14: {  	s11 =	sadd.s32 $0x9600, s13;
	s12 =	sadd.s32 $0x6400, s30;
	s13 =	sadd.s32 $0x1F4, s31  }
.LBB2_4:
0x15: {  	s25 =	sadd.s32 $0x1, s25  }
0x16: {  	_ =	swait.ge [sflag:s23], $0xC800;
	p0 =	sne.s32 s25, s6  }
.Ltmp1:
0x17: {  	[sflag:s23] =	ssyncset.done $0x0;
	(pc) =	sbr.rel @!p0 .LBB2_5-.Ltmp1, $4  }
0x18: {  	[sflag:s23] =	ssyncadd.s32 $0xFFFF3800  }
0x19: {  	_ =	swait.ge [sflag:s24], $0xC800  }
0x1a: {  	[sflag:s24] =	ssyncset.done $0x0  }
0x1b: {  	[sflag:s24] =	ssyncadd.s32 $0xFFFF3800  }
.LBB2_1:
0x1c: {  	[tilespmem:s2], [sflag:$0x1] =	stream.linear.gather [hbm4b:s4+s2], $0x320, $0x38;
	[tilespmem:$0x19640] =	vst v63  }
0x1d: {  	_ = 	snop  }
0x1e: {  	[tilespmem:s14], [sflag:$0x2] =	stream.linear.gather [hbm4b:s5+s2], $0x320, $0x38;
	[tilespmem:$0x19640] =	vst v63  }
0x1f: {  	_ =	swait.ge [sflag:s15], $0x320  }
0x20: {  	[sflag:s15] =	ssyncset.done $0x0  }
0x21: {  	[sflag:s15] =	ssyncadd.s32 $0xFFFFFCE0  }
0x22: {  	[tilespmem:s16], [sflag:$0x3] =	stream.indirect.gather [hbm4b:s3+s14], $0x40, s2, s14, $0xb8;
	[tilespmem:$0x19640] =	vst v63  }
0x23: {  	_ =	swait.ge [sflag:s17], $0xC800  }
0x24: {  	[sflag:s17] =	ssyncset.done $0x0  }
0x25: {  	[sflag:s17] =	ssyncadd.s32 $0xFFFF3800  }
0x26: {  	[hbm4b:s7+s18] =	stream.strided.scatter [tilespmem:s16], [sflag:$0x5], $0xC800, s19, s18, $0x38;
	[tilespmem:$0x19640] =	vst v63  }
0x27: {  	_ = 	snop  }
0x28: {  	[tilespmem:s2], [sflag:$0x1] =	stream.linear.gather [hbm4b:s8+s2], $0x320, $0x38;
	[tilespmem:$0x19640] =	vst v63  }
0x29: {  	_ =	swait.ge [sflag:s20], $0x320  }
0x2a: {  	[sflag:s20] =	ssyncset.done $0x0  }
0x2b: {  	[sflag:s20] =	ssyncadd.s32 $0xFFFFFCE0  }
0x2c: {  	[tilespmem:s21], [sflag:$0x4] =	stream.indirect.gather [hbm4b:s3+s14], $0x40, s14, s14, $0xb8;
	[tilespmem:$0x19640] =	vst v63  }
0x2d: {  	_ =	swait.ge [sflag:s22], $0xC800  }
0x2e: {  	[sflag:s22] =	ssyncset.done $0x0  }
0x2f: {  	[sflag:s22] =	ssyncadd.s32 $0xFFFF3800  }
0x30: {  	[hbm4b:s9+s18] =	stream.strided.scatter [tilespmem:s21], [sflag:$0x6], $0xC800, s19, s18, $0x38;
	[tilespmem:$0x19640] =	vst v63  }
0x31: {  	_ = 	snop  }
0x32: {  	[tilespmem:s14], [sflag:$0x2] =	stream.linear.gather [hbm4b:s10+s2], $0x320, $0x38;
	[tilespmem:$0x19640] =	vst v63  }
0x33: {  	_ =	swait.ge [sflag:s15], $0x320  }
0x34: {  	[sflag:s15] =	ssyncset.done $0x0  }
0x35: {  	[sflag:s15] =	ssyncadd.s32 $0xFFFFFCE0  }
0x36: {  	_ =	swait.ge [sflag:s23], $0xC800  }
0x37: {  	[sflag:s23] =	ssyncset.done $0x0  }
0x38: {  	s26 =	smov.u32 s13;
	s28 =	simm.s32 $0x0;
	[sflag:s23] =	ssyncadd.s32 $0xFFFF3800  }
0x39: {  	[tilespmem:s16], [sflag:$0x3] =	stream.indirect.gather [hbm4b:s3+s14], $0x40, s2, s14, $0xb8;
	[tilespmem:$0x19640] =	vst v63  }
.LBB2_2:
0x3a: {  	_ =	swait.ge [sflag:s17], $0xC800  }
0x3b: {  	[sflag:s17] =	ssyncset.done $0x0  }
0x3c: {  	s29 =	sadd.s32 s28, s12;
	p0 =	seq.s32 s28, $0x57800;
	[sflag:s17] =	ssyncadd.s32 $0xFFFF3800  }
0x3d: {  	[hbm4b:s29+s18] =	stream.strided.scatter [tilespmem:s16], [sflag:$0x5], $0xC800, s19, s18, $0x38;
	[tilespmem:$0x19640] =	vst v63  }
0x3e: {  	s30 =	simm.s32 @!p0 $0x0;
	s29 =	sadd.s32 @!p0 $0xFFFFFF9C, s26  }
0x3f: {  	[tilespmem:s30], [sflag:$0x1] =	stream.linear.gather @!p0 [hbm4b:s29+s30], $0x320, $0x38;
	[tilespmem:$0x19640] =	vst v63  }
0x40: {  	_ =	swait.ge [sflag:s20], $0x320  }
0x41: {  	[sflag:s20] =	ssyncset.done $0x0  }
0x42: {  	[sflag:s20] =	ssyncadd.s32 $0xFFFFFCE0  }
0x43: {  	_ =	swait.ge [sflag:s24], $0xC800  }
0x44: {  	[sflag:s24] =	ssyncset.done $0x0  }
0x45: {  	[sflag:s24] =	ssyncadd.s32 $0xFFFF3800  }
0x46: {  	[tilespmem:s21], [sflag:$0x4] =	stream.indirect.gather [hbm4b:s3+s14], $0x40, s14, s14, $0xb8;
	[tilespmem:$0x19640] =	vst v63  }
.Ltmp2:
0x47: {  	_ = 	snop;
	(pc) =	sbr.rel @p0 .LBB2_4-.Ltmp2, $4  }
0x48: {  	_ =	swait.ge [sflag:s22], $0xC800  }
0x49: {  	[sflag:s22] =	ssyncset.done $0x0  }
0x4a: {  	s31 =	sadd.s32 s28, s11;
	[sflag:s22] =	ssyncadd.s32 $0xFFFF3800  }
0x4b: {  	[hbm4b:s31+s18] =	stream.strided.scatter [tilespmem:s21], [sflag:$0x6], $0xC800, s19, s18, $0x38;
	[tilespmem:$0x19640] =	vst v63  }
0x4c: {  	[tilespmem:s14], [sflag:$0x2] =	stream.linear.gather [hbm4b:s26+s2], $0x320, $0x38;
	[tilespmem:$0x19640] =	vst v63  }
0x4d: {  	_ =	swait.ge [sflag:s15], $0x320  }
0x4e: {  	[sflag:s15] =	ssyncset.done $0x0  }
.Ltmp3:
0x4f: {  	[sflag:s15] =	ssyncadd.s32 $0xFFFFFCE0;
	(pc) =	sbr.rel .LBB2_2-.Ltmp3, $4  }
0x50: {  	_ =	swait.ge [sflag:s23], $0xC800  }
0x51: {  	[sflag:s23] =	ssyncset.done $0x0  }
0x52: {  	s28 =	sadd.s32 $0x6400, s28;
	s26 =	sadd.s32 $0xC8, s26;
	[sflag:s23] =	ssyncadd.s32 $0xFFFF3800  }
0x53: {  	[tilespmem:s16], [sflag:$0x3] =	stream.indirect.gather [hbm4b:s3+s14], $0x40, s2, s14, $0xb8;
	[tilespmem:$0x19640] =	vst v63  }
.LBB2_5:
0x54: {  	_ =	sfence.sel $0x180000  }
0x55: {  	[bflag:$0x0] =	sbarrier.arrive $0xFFFF  }
0x56: {  	p0 =	sne.s32 s0, $0x0;
	_ =	strace $0x90000047  }
0x57: {  	s0 =	sadd.s32 @!p0 $0x100000, s1;
	[bflag:$0x2] =	sbarrier.arrive $0xFFFF  }
0x58: {  	[sflag:s0] =	ssyncadd.tile.s32 @!p0 $0x1;
	_ =	shalt  }
.Lfunc_end2:
_tile_overlayer_lowered:
.L_overlay_start_2:
0x59: {  	(tag) =	ssettag $0x2  }
0x5a: {  	s0 =	rddreg [dreg:$0x0];
	s2 =	stileid.u32  }
0x5b: {  	s1 =	rddreg [dreg:$0x1];
	p0 =	sne.s32 s2, $0x0  }
0x5c: {  	s3 =	rddreg [dreg:$0x2];
	[bflag:$0x3] =	sbarrier.arrive $0xFFFF;
	s2 =	simm.s32 @!p0 $0x1C07  }
0x5d: {  	[timem:s3], [sflag:s2] =	dma.local @!p0 [hbm:s0], s1  }
0x5e: {  	s0 =	simm.s32 @!p0 $0x7  }
0x5f: {  	_ =	swait.ge @!p0 [sflag:s0], s1  }
0x60: {  	s1 =	ssub.s32 @!p0 $0x0, s1;
	[sflag:s0] =	ssyncset.done @!p0 $0x0  }
0x61: {  	[sflag:s0] =	ssyncadd.s32 @!p0 s1  }
0x62: {  	[bflag:$0x3] =	sbarrier.arrive $0xFFFF  }
0x63: {  	_ =	shalt  }

// kernel: sparse-core-data-format-call.cloned.1.call-start
scs
called_computation_lowered:
.L_overlay_start_0:
0x0: {  	s2 =	sld [smem:$0x3FD9]  }
0x1: {  	s3 =	sld [smem:$0x3FFE];
	_ =	sdelay $0x1  }
0x2: {  	s1 =	srdreg.scid  }
0x3: {  	s0 =	sand.u32 $0x1, s1  }
0x4: {  	s18 =	sshll.u32 s0, $0xA;
	s2 =	sadd.s32 s3, s2  }
0x5: {  	s2 =	sadd.s32 s2, s18  }
0x6: {  	[smem:$0x3FC6] =	sst s2  }
0x7: {  	_ = 	snop  }
0x8: {  	s2 =	sld [smem:$0x3FD0];
	(tm) =	ssettm $0x1  }
0x9: {  	s19 =	sld [smem:$0x3FFB];
	_ =	sdelay $0x3  }
0xa: {  	_ =	strace s19  }
0xb: {  	s3 =	sld [smem:$0x3FFC];
	_ =	sdelay $0x3  }
0xc: {  	_ =	strace s3  }
0xd: {  	s3 =	sld [smem:$0x3FFD];
	_ =	sdelay $0x3  }
0xe: {  	_ =	strace s3  }
0xf: {  	_ =	strace $0x8FFFFFFF  }
0x10: {  	s20 =	sld [smem:$0x3FDB];
	_ =	sdelay $0x1  }
0x11: {  	s4 =	simm.s32 $_scs_section_size  }
0x12: {  	s5 =	simm.s32 $_size__tile_overlayer_lowered;
	s6 =	simm.s32 $_tile_overlayer_lowered  }
0x13: {  	s23 =	simm.s32 $0x1BFF;
	s22 =	sshll.u32 s6, $0x1;
	s3 =	sadd.s32 s4, s20  }
0x14: {  	s7 =	simm.s32 $0x0;
	s21 =	sshll.u32 s5, $0x1;
	s5 =	sadd.s32 s22, s3  }
0x15: {  	[timem:s7], [sflag:s23] =	dma.local [hbm:s5], s21  }
0x16: {  	_ =	swait.ge [sflag:s23], s21  }
0x17: {  	s4 =	ssub.s32 $0x0, s21;
	[sflag:s23] =	ssyncset.done $0x0  }
0x18: {  	[sflag:s23] =	ssyncadd.s32 s4;
	_ =	sdelay $0x1  }
0x19: {  	s24 =	simm.s32 $0x1B8B  }
0x1a: {  	_ =	swait.ge [sflag:s24], $0x1  }
0x1b: {  	[sflag:s24] =	ssyncset.done $0x0  }
0x1c: {  	s26 =	simm.s32 $0x1B8E;
	s25 =	sld [smem:$0x3FFE];
	[sflag:s24] =	ssyncadd.s32 $0xFFFFFFFF  }
0x1d: {  	s27 =	simm.s32 $execute0_lowered;
	[smem:$0x3FD2] =	sst s26  }
0x1e: {  	s5 =	sshll.u32 s27, $0x1;
	_ =	strace $0x80000049;
	[dreg:$0x1] =	wrdreg $0xFFFFFFFF  }
0x1f: {  	s28 =	simm.s32 $_size_execute0_lowered;
	s3 =	sadd.s32 s3, s5;
	[dreg:$0x0] =	wrdreg $0x0  }
0x20: {  	s5 =	sshll.u32 s28, $0x1;
	[dreg:$0x2] =	wrdreg s3  }
0x21: {  	[dreg:$0x3] =	wrdreg s5  }
0x22: {  	[dreg:$0x4] =	wrdreg $0xC0  }
0x23: {  	_ =	task [dreg:s7], $0x5FFFF  }
0x24: {  	[dreg:$0x1] =	wrdreg $0xFFFFFFFF  }
0x25: {  	[dreg:$0x0] =	wrdreg $0x60  }
0x26: {  	[dreg:$0x2] =	wrdreg s25  }
0x27: {  	[dreg:$0x3] =	wrdreg s2  }
0x28: {  	[dreg:$0x4] =	wrdreg $0x9  }
0x29: {  	_ =	task.clear_ibuf [dreg:s7], $0x5FFFF;
	_ =	strace $0x90000049  }
0x2a: {  	s29 =	simm.s32 $0x9;
	_ =	strace $0x8000004B  }
0x2b: {  	_ =	swait.ge [sflag:s29], $0x1  }
0x2c: {  	[sflag:s29] =	ssyncadd.s32 $0xFFFFFFFF  }
0x2d: {  	_ =	strace $0x9000004B  }
0x2e: {  	_ =	sfence  }
0x2f: {  	s30 =	sld [smem:$0x0];
	_ =	sdelay $0x2  }
0x30: {  	s31 =	sshll.u32 s1, $0xD;
	s1 =	sshrl.u32 s1, $0x2  }
0x31: {  	s3 =	sand.u32 $0x4000, s31;
	s1 =	sadd.s32 s1, s30  }
0x32: {  	s0 =	sor.u32 s3, s0;
	s1 =	sshll.u32 s1, $0x11  }
0x33: {  	s0 =	sor.u32 s1, s0  }
0x34: {  	s0 =	sadd.s32 $0x8F2B, s0  }
0x35: {  	[sflag:s0] =	ssyncadd.remote.s32 $0x1  }
0x36: {  	_ =	sfence.sel $0xFFFF  }
0x37: {  	[dreg:$0x0] =	wrdreg $0xFFFFFFFF;
	(pc) =	sbr.abs _section_cstart, $3  }
0x38: {  	[dreg:$0x1] =	wrdreg $0xFFFFFFFF  }
0x39: {  	_ =	task.clear_ibuf [dreg:s7], $0x2FFFF;
	_ =	strace $0x9FFFFFFF  }
0x3a: {  	(tm) =	ssettm $0x7FFFFFFF  }
0x3b: {  	_ =	shalt  }
tec
execute0_lowered:
.L_overlay_start_1:
0x0: {  	(tag) =	ssettag $0x1  }
0x1: {  	s0 =	srdreg.scid  }
0x2: {  	s1 =	sshll.u32 s0, $0x4  }
0x3: {  	s0 =	stileid.u32;
	s1 =	sand.u32 $0x10, s1  }
0x4: {  	s1 =	sor.u32 s0, s1  }
0x5: {  	s6 =	rddreg [dreg:$0x0];
	s4 =	simm.s32 $0x1;
	s2 =	sshll.u32 s1, $0x7  }
0x6: {  	s7 =	simm.s32 $0x2;
	s12 =	simm.s32 $0x0;
	s1 =	ssub.s32 $0x1000, s2  }
0x7: {  	s8 =	simm.s32 $0x8000;
	s13 =	simm.s32 $0x0;
	s3 =	sand.u32 $0xF80, s1  }
0x8: {  	s9 =	simm.s32 $0x0;
	s5 =	sshrl.u32 s1, $0xC;
	p0 =	sne.s32 s3, $0x0  }
.Ltmp0:
0x9: {  	s1 =	rddreg [dreg:$0x2];
	s4 =	simm.s32 @!p0 $0x0;
	(pc) =	sbr.rel .LBB1_1-.Ltmp0, $4  }
0xa: {  	s11 =	simm.s32 $0x0;
	s3 =	rddreg [dreg:$0x1];
	s5 =	sadd.s32 s4, s5  }
0xb: {  	_ =	strace $0x8000004A;
	s4 =	simm.s32 $0x1;
	s5 =	smul.u32 $0xC8, s5  }
0xc: {  	s6 =	sadd.s32 $0xA00, s6;
	s10 =	smov.u32 s2;
	[sflag:s4] =	ssyncpa.u1 $0x0  }
0xd: {  	p0 =	por $0x0, $0x0;
	[sflag:s7] =	ssyncpa.u1 $0x0;
	s7 =	sor.u32 $0x1, s5  }
.LBB1_4:
0xe: {  	s16 =	sshll.u32 s13, $0x3;
	s17 =	sand.u32 $0x78, s13  }
0xf: {  	s30 =	sand.u32 $0x7E00, s13;
	s12 =	sshll.u32 s12, $0xF;
	s16 =	sand.u32 $0xC00, s16  }
0x10: {  	[tilespmem:s15+$0x810 ss:$0x81] =	vst.msk $0xffff, v2;
	s31 =	sand.u32 $0x7, s13;
	s16 =	sor.u32 s17, s16;
	s17 =	sadd.s32 s3, s30  }
0x11: {  	[tilespmem:s15+$0x1020 ss:$0x81] =	vst.msk $0xffff, v0;
	s13 =	sshll.u32 s31, $0x12;
	s12 =	sadd.s32 s12, s17;
	s16 =	sshrl.u32 s16, $0x3  }
0x12: {  	[tilespmem:s15+$0x0 ss:$0x81] =	vst.msk $0xffff, v1;
	s13 =	sor.u32 $0x400, s13;
	s12 =	sadd.s32 s16, s12  }
0x13: {  	[hbm4b:s12+s13] =	stream.strided.scatter [tilespmem:s14], [sflag:$0x2], $0x2000, s8, s13, $0x20;
	[tilespmem:$0x8080] =	vst v63  }
.LBB1_5:
0x14: {  	s14 =	sadd.s32 $0x1, s9  }
0x15: {  	s12 =	sadd.s32 $0x1000, s10;
	s16 =	smov.u32 s10;
	p2 =	sgt.s32 s14, $0xC7  }
0x16: {  	s16 =	smov.u32 @p2 s12  }
0x17: {  	s14 =	simm.s32 @p2 $0x0;
	p2 =	sgt.s32 s16, $0xFFF  }
0x18: {  	s16 =	smov.u32 @p2 s2;
	p2 =	sne.s32 s11, s7  }
.Ltmp1:
0x19: {  	p1 =	slt.u32 s11, $0x2;
	(pc) =	sbr.rel @!p2 .LBB1_6-.Ltmp1, $4  }
0x1a: {  	s15 =	simm.s32 @!p1 $0x2  }
0x1b: {  	s13 =	smov.u32 s10;
	p0 =	por !p0, !p0;
	_ =	swait.ge @!p1 [sflag:s15], $0x2000  }
0x1c: {  	s12 =	smov.u32 s9;
	[sflag:s15] =	ssyncset.done @!p1 $0x0;
	s9 =	smov.u32 s14  }
0x1d: {  	s11 =	sadd.s32 $0x1, s11;
	[sflag:s15] =	ssyncadd.s32 @!p1 $0xFFFFE000;
	s10 =	smov.u32 s16  }
.LBB1_1:
0x1e: {  	p1 =	sge.u32 s11, s5  }
0x1f: {  	s14 =	sand.u32 @!p1 $0x1FFFFFF, s9  }
0x20: {  	s15 =	smulhi.u32 @!p1 $0x147AE15, s14;
	_ =	sdelay $0x1  }
0x21: {  	s15 =	smul.u32 @!p1 $0xC8, s15  }
0x22: {  	s16 =	sxor.u32 @!p1 $0xFFFFFFFF, s11;
	s17 =	smul.u32 @!p1 $0xC80, s10  }
0x23: {  	s31 =	sadd.s32 $0xFFFFFFFF, s11;
	s16 =	sshll.u32 @!p1 s16, $0xD;
	s14 =	ssub.s32 @!p1 s14, s15  }
0x24: {  	s15 =	sand.u32 @!p1 $0x2000, s16;
	s16 =	sadd.s32 @!p1 s6, s17;
	s14 =	sshll.u32 @!p1 s14, $0x4  }
0x25: {  	s17 =	simm.s32 @!p1 $0x6400;
	s14 =	sadd.s32 @!p1 s14, s16;
	s16 =	simm.s32 @!p1 $0x40  }
0x26: {  	[tilespmem:s15], [sflag:$0x1] =	stream.strided.gather @!p1 [hbm4b:s14+s16], $0x2000, s17, s16, $0x38;
	[tilespmem:$0x8080] =	vst v63  }
0x27: {  	p1 =	sge.u32 s31, s5  }
.Ltmp2:
0x28: {  	_ = 	snop;
	(pc) =	sbr.rel @p1 .LBB1_5-.Ltmp2, $1  }
0x29: {  	_ =	sdelay $0x3  }
0x2a: {  	s14 =	simm.s32 $0x1  }
0x2b: {  	_ =	swait.ge [sflag:s4], $0x2000;
	s14 =	simm.s32 @!p0 $0x0  }
0x2c: {  	[sflag:s4] =	ssyncset.done $0x0;
	s15 =	sshll.u32 s14, $0xD  }
0x2d: {  	[sflag:s4] =	ssyncadd.s32 $0xFFFFE000;
	s18 =	sor.u32 $0x20, s15  }
0x2e: {  	s14 =	smul.u32 $0x8100, s14;
	v3 =	vld [tilespmem:s18+$0x10]  }
0x2f: {  	s30 =	sand.u32 $0x1, s11;
	v2 =	vld [tilespmem:s18+$0xFFFFFFF0]  }
0x30: {  	s15 =	smul.u32 $0x8100, s30;
	s14 =	sshrl.u32 s14, $0x2;
	v0 =	vld [tilespmem:s18+$0x0]  }
0x31: {  	v1 =	vld [tilespmem:s18+$0xFFFFFFE0];
	s16 =	sor.u32 $0x4000, s14  }
0x32: {  	s31 =	sshrl.u32 s15, $0x2;
	s15 =	sadd.s32 $0x0, s16  }
0x33: {  	s17 =	simm.s32 $0x4;
	s18 =	sadd.s32 $0x40, s18;
	s14 =	sor.u32 $0x4000, s31;
	[tilespmem:s15+$0x1830 ss:$0x81] =	vst.msk $0xffff, v3  }
.LBB1_3:
0x34: {  	v3 =	vld [tilespmem:s18+$0x10];
	p1 =	sne.s32 s17, $0x1FC;
	[tilespmem:s15+$0x810 ss:$0x81] =	vst.msk $0xffff, v2;
	s19 =	smov.u32 s17;
	s17 =	sadd.s32 $0x4, s17  }
.Ltmp3:
0x35: {  	v2 =	vld [tilespmem:s18+$0xFFFFFFF0];
	[tilespmem:s15+$0x1020 ss:$0x81] =	vst.msk $0xffff, v0;
	(pc) =	sbr.rel @p1 .LBB1_3-.Ltmp3, $4  }
0x36: {  	v0 =	vld [tilespmem:s18+$0x0];
	[tilespmem:s15+$0x0 ss:$0x81] =	vst.msk $0xffff, v1  }
0x37: {  	s15 =	sshra.s32 s19, $0x2;
	v1 =	vld [tilespmem:s18+$0xFFFFFFE0]  }
0x38: {  	s15 =	sadd.s32 s15, s16  }
0x39: {  	s18 =	sadd.s32 $0x40, s18;
	[tilespmem:s15+$0x1830 ss:$0x81] =	vst.msk $0xffff, v3  }
.Ltmp4:
0x3a: {  	_ = 	snop;
	(pc) =	sbr.rel .LBB1_4-.Ltmp4, $1  }
0x3b: {  	_ =	sdelay $0x3  }
.LBB1_6:
0x3c: {  	_ =	sfence.sel $0x180000  }
0x3d: {  	s2 =	simm.s32 $0x1;
	[bflag:$0x0] =	sbarrier.arrive $0xFFFF  }
0x3e: {  	s31 =	simm.s32 $0x2;
	[sflag:s2] =	ssyncpa.u1 $0x1  }
0x3f: {  	[sflag:s31] =	ssyncpa.u1 $0x1  }
0x40: {  	p0 =	sne.s32 s0, $0x0;
	_ =	strace $0x9000004A  }
0x41: {  	s0 =	sadd.s32 @!p0 $0x100000, s1;
	[bflag:$0x2] =	sbarrier.arrive $0xFFFF  }
0x42: {  	[sflag:s0] =	ssyncadd.tile.s32 @!p0 $0x1;
	_ =	shalt  }
.Lfunc_end1:
_tile_overlayer_lowered:
.L_overlay_start_2:
0x43: {  	(tag) =	ssettag $0x2  }
0x44: {  	s0 =	rddreg [dreg:$0x0];
	s2 =	stileid.u32  }
0x45: {  	s1 =	rddreg [dreg:$0x1];
	p0 =	sne.s32 s2, $0x0  }
0x46: {  	s3 =	rddreg [dreg:$0x2];
	[bflag:$0x3] =	sbarrier.arrive $0xFFFF;
	s2 =	simm.s32 @!p0 $0x1C01  }
0x47: {  	[timem:s3], [sflag:s2] =	dma.local @!p0 [hbm:s0], s1  }
0x48: {  	s0 =	simm.s32 @!p0 $0x1  }
0x49: {  	_ =	swait.ge @!p0 [sflag:s0], s1  }
0x4a: {  	s1 =	ssub.s32 @!p0 $0x0, s1;
	[sflag:s0] =	ssyncset.done @!p0 $0x0  }
0x4b: {  	[sflag:s0] =	ssyncadd.s32 @!p0 s1  }
0x4c: {  	[bflag:$0x3] =	sbarrier.arrive $0xFFFF  }
0x4d: {  	_ =	shalt  }

</sc_bundles>
